<compile_context>
chip_gen: v7x
topology: tpu7x:2x2x1
jax: 0.10.2.dev20260603
libtpu: 0.0.44.dev20260713+nightly
codegen_flags: <defaults>
</compile_context>

<pallas_src>
import contextlib
import functools

import jax
import jax.numpy as jnp
import numpy as np
from jax import lax
from jax.experimental import pallas as pl
from jax.experimental.pallas import tpu as pltpu
from jax.experimental.pallas import tpu_sc as plsc

_MASK_RATE = 0.5
_REPLACE_RATE = 0.05

_B = 5000
_W = 160
_NW = 32


def _stage_size(num_noise: int) -> int:
    g = np.lcm(_W, 256)
    return int(-(-num_noise // g) * g)


@functools.lru_cache(maxsize=None)
def _plan(num_nodes: int, dim: int):
    try:
        dev_ctx = jax.default_device(jax.local_devices(backend="cpu")[0])
    except Exception:
        dev_ctx = contextlib.nullcontext()
    with jax.ensure_compile_time_eval(), dev_ctx:
        rkey = jax.random.key(42)
        k1, k2, k3 = jax.random.split(rkey, 3)
        perm = jax.random.permutation(k1, num_nodes)
        num_mask = int(_MASK_RATE * num_nodes)
        mask_nodes = perm[:num_mask]
        keep_nodes = perm[num_mask:]
        num_noise = int(_REPLACE_RATE * num_mask)
        perm_mask = jax.random.permutation(k2, num_mask)
        token_nodes = mask_nodes[perm_mask[:-num_noise]]
        noise_nodes = mask_nodes[perm_mask[-num_noise:]]
        noise_src = jax.random.permutation(k3, num_nodes)[:num_noise]

        tok_np = np.asarray(token_nodes)
        noise_np = np.asarray(noise_nodes)
        src_np = np.asarray(noise_src)

    nb = num_nodes // _B
    n_stage = _stage_size(num_noise)
    pw = n_stage // _NW
    if pw % 8 or pw > 128:
        raise ValueError("bad per-worker gather size")
    cat = np.zeros((num_nodes, 1), np.int32)
    cat[tok_np] = 1
    cat[noise_np] = 2

    blk = noise_np // _B
    order = np.argsort(blk, kind="stable")
    dst_sorted = noise_np[order]
    src_sorted = src_np[order]
    counts = np.bincount(blk, minlength=nb)
    starts = np.concatenate(([0], np.cumsum(counts)))[:-1]
    if int(counts.max()) > _W:
        raise ValueError("noise rows per block exceed window capacity")
    if num_noise > n_stage:
        raise ValueError("stage buffer too small")

    src_full = np.zeros((n_stage,), np.int32)
    src_full[:num_noise] = src_sorted

    win = np.minimum(starts // _W, (n_stage - 2 * _W) // _W).astype(np.int32)
    lidxrel = np.full((nb, 1, 2 * _W), -1, np.int32)
    for b in range(nb):
        base = int(win[b]) * _W
        for e in range(int(starts[b]), int(starts[b]) + int(counts[b])):
            p = e - base
            lidxrel[b, 0, p] = int(dst_sorted[e]) % _B

    return {
        "nb": nb,
        "n_stage": n_stage,
        "cat": jnp.asarray(cat),
        "lidxrel": jnp.asarray(lidxrel),
        "win": jnp.asarray(win),
        "src_full": jnp.asarray(src_full),
        "mask_nodes": jnp.asarray(np.asarray(mask_nodes)),
        "keep_nodes": jnp.asarray(np.asarray(keep_nodes)),
    }


def _sc_gather(x, src_full, n_stage, dim):
    try:
        info = plsc.get_sparse_core_info()
        nc = info.num_cores
    except Exception:
        nc = 2
    mesh = plsc.VectorSubcoreMesh(core_axis_name="c", subcore_axis_name="s")

    pw = n_stage // _NW

    @functools.partial(
        pl.kernel,
        mesh=mesh,
        out_type=jax.ShapeDtypeStruct((n_stage, dim), jnp.float32),
        scratch_types=[
            pltpu.VMEM((pw,), jnp.int32),
            pltpu.VMEM((pw, dim), jnp.float32),
            pltpu.SemaphoreType.DMA,
        ],
    )
    def gather_k(x_hbm, src_hbm, nv_hbm, idxv, rows, sem):
        wid = lax.axis_index("s") * nc + lax.axis_index("c")
        base = wid * pw
        pltpu.sync_copy(src_hbm.at[pl.ds(base, pw)], idxv)
        pltpu.async_copy(x_hbm.at[idxv], rows, sem).wait()
        pltpu.sync_copy(rows, nv_hbm.at[pl.ds(base, pw)])

    return gather_k(x, src_full)


def _tc_body(win_ref, cat_ref, lidx_ref, tok_ref, x_ref, nva_ref, nvb_ref,
             o_ref):
    m = cat_ref[...]
    xb = x_ref[...]
    sel = jnp.where(m == 1, tok_ref[...], xb)
    nvwin = jnp.concatenate([nva_ref[...], nvb_ref[...]], axis=0)
    lidx = lidx_ref[...].reshape(1, 2 * _W)
    rows = lax.broadcasted_iota(jnp.int32, (_B, 2 * _W), 0)
    p = (rows == lidx).astype(jnp.bfloat16)
    npart = jnp.dot(p, nvwin.astype(jnp.bfloat16),
                    preferred_element_type=jnp.float32)
    o_ref[...] = jnp.where(m == 2, npart, sel)


def _tc_apply(x, tok, nv, plan, dim):
    nb = plan["nb"]
    grid_spec = pltpu.PrefetchScalarGridSpec(
        num_scalar_prefetch=1,
        grid=(nb,),
        in_specs=[
            pl.BlockSpec((_B, 1), lambda i, w: (i, 0)),
            pl.BlockSpec((1, 1, 2 * _W), lambda i, w: (i, 0, 0)),
            pl.BlockSpec((1, dim), lambda i, w: (0, 0)),
            pl.BlockSpec((_B, dim), lambda i, w: (i, 0)),
            pl.BlockSpec((_W, dim), lambda i, w: (w[i], 0)),
            pl.BlockSpec((_W, dim), lambda i, w: (w[i] + 1, 0)),
        ],
        out_specs=pl.BlockSpec((_B, dim), lambda i, w: (i, 0)),
    )
    return pl.pallas_call(
        _tc_body,
        grid_spec=grid_spec,
        out_shape=jax.ShapeDtypeStruct((x.shape[0], dim), jnp.float32),
        compiler_params=pltpu.CompilerParams(
            dimension_semantics=("arbitrary",),
        ),
    )(plan["win"], plan["cat"], plan["lidxrel"], tok, x, nv, nv)


def kernel(x, enc_mask_token):
    num_nodes, dim = x.shape
    plan = _plan(num_nodes, dim)
    nv = _sc_gather(x, plan["src_full"], plan["n_stage"], dim)
    out = _tc_apply(x, enc_mask_token, nv, plan, dim)
    return out, plan["mask_nodes"], plan["keep_nodes"]

# --- scband reference (transcript-rebuilt; emitter-appended) ---
"""Pipeline reference for scband-encoding-mask-noise-53025666236963 (READ-ONLY COPY).

The authoritative reference and input builder live on the scoring server;
editing this copy changes nothing except your own understanding.
"""

import jax, jax.numpy as jnp
import numpy as np

IN_DIM = 128
MASK_RATE = 0.5
REPLACE_RATE = 0.05

def setup_inputs(seed: int = 0) -> dict:
    key = jax.random.key(seed)
    kx, kt = jax.random.split(key)
    x = jax.random.normal(kx, (100000, IN_DIM), dtype=jnp.float32)
    # xavier_normal_ with gain=1.414 on a (1, in_dim) tensor: std = gain * sqrt(2/(fan_in+fan_out)) = 1.414*sqrt(2/(1+128))
    std = 1.414 * np.sqrt(2.0 / (1 + IN_DIM))
    enc_mask_token = jax.random.normal(kt, (1, IN_DIM), dtype=jnp.float32) * std
    return {"x": x, "enc_mask_token": enc_mask_token}

def reference(x, enc_mask_token):
    num_nodes = x.shape[0]
    rkey = jax.random.key(42)
    k1, k2, k3 = jax.random.split(rkey, 3)
    perm = jax.random.permutation(k1, num_nodes)
    num_mask_nodes = int(MASK_RATE * num_nodes)
    mask_nodes = perm[:num_mask_nodes]
    keep_nodes = perm[num_mask_nodes:]
    if REPLACE_RATE > 0.0:
        num_noise_nodes = int(REPLACE_RATE * num_mask_nodes)
        perm_mask = jax.random.permutation(k2, num_mask_nodes)
        token_nodes = mask_nodes[perm_mask[:-num_noise_nodes]]
        noise_nodes = mask_nodes[perm_mask[-num_noise_nodes:]]
        noise_to_be_chosen = jax.random.permutation(k3, num_nodes)[:num_noise_nodes]
        out_x = x.at[token_nodes].set(0.0)
        out_x = out_x.at[noise_nodes].set(x[noise_to_be_chosen])
    else:
        token_nodes = mask_nodes
        out_x = x.at[mask_nodes].set(0.0)
    out_x = out_x.at[token_nodes].add(enc_mask_token)
    return (out_x, mask_nodes, keep_nodes)

if __name__ == "__main__":
    import jax
    _d = setup_inputs()
    print(jax.jit(kernel)(*tuple(_d.values())))

</pallas_src>

<mosaic_0001>
#map = affine_map<(d0, d1) -> (0, 0)>
#map1 = affine_map<(d0, d1) -> (0)>
module attributes {stable_mosaic.version = 14 : i64} {
  func.func @gather_k(%arg0: i32, %arg1: i32, %arg2: memref<100000x128xf32, #tpu.memory_space<hbm>>, %arg3: memref<2560xi32, #tpu.memory_space<hbm>>, %arg4: memref<2560x128xf32, #tpu.memory_space<hbm>>, %arg5: memref<80xi32, #tpu.memory_space<vmem>>, %arg6: memref<80x128xf32, #tpu.memory_space<vmem>>, %arg7: memref<!tpu.dma_semaphore, #tpu.memory_space<semaphore_mem>>) attributes {dimension_semantics = [#tpu.dimension_semantics<core_parallel>, #tpu.dimension_semantics<subcore_parallel>], iteration_bounds = array<i64: 2, 16>, scalar_prefetch = 0 : i64, scratch_operands = 3 : i64, tpu.core_type = #tpu.core_type<sc_vector_subcore>, window_params = [{transform_indices = #map}, {transform_indices = #map1}, {transform_indices = #map}]} {
    %mul3A = arith.constant 2 : i32
    %mul3A_0 = arith.muli %arg1, %mul3A : i32
    %add3A = arith.addi %mul3A_0, %arg0 : i32
    %mul3A_1 = arith.constant 80 : i32
    %mul3A_2 = arith.muli %add3A, %mul3A_1 : i32
    "tpu.region"() ({
      %run_scoped3A = tpu.sem_alloc : memref<!tpu.dma_semaphore, #tpu.memory_space<semaphore_mem>>
      %dma_start3A_7 = tpu.memref_slice %arg3[%mul3A_2] : memref<2560xi32, #tpu.memory_space<hbm>> -> memref<80xi32, #tpu.memory_space<hbm>>
      %dma_start3A_8 = tpu.memref_slice %arg3[%mul3A_2] : memref<2560xi32, #tpu.memory_space<hbm>> -> memref<80xi32, #tpu.memory_space<hbm>>
      tpu.enqueue_dma source(%dma_start3A_8 : memref<80xi32, #tpu.memory_space<hbm>>) target(%arg5 : memref<80xi32, #tpu.memory_space<vmem>>) target_semaphore(%run_scoped3A : memref<!tpu.dma_semaphore, #tpu.memory_space<semaphore_mem>>)
      %dma_wait3A_9 = tpu.memref_slice %arg3[%mul3A_2] : memref<2560xi32, #tpu.memory_space<hbm>> -> memref<80xi32, #tpu.memory_space<hbm>>
      %dma_wait3A_10 = tpu.memref_slice %arg3[%mul3A_2] : memref<2560xi32, #tpu.memory_space<hbm>> -> memref<80xi32, #tpu.memory_space<hbm>>
      tpu.wait_dma2 semaphore(%run_scoped3A : memref<!tpu.dma_semaphore, #tpu.memory_space<semaphore_mem>>) src(%dma_wait3A_10 : memref<80xi32, #tpu.memory_space<hbm>>) dst(%arg5 : memref<80xi32, #tpu.memory_space<vmem>>)
      tpu.yield
    }) : () -> ()
    %dma_start3A = arith.constant 0 : i32
    %dma_start3A_3 = arith.constant 0 : i32
    %dma_start3A_4 = tpu.memref_slice %arg2[%dma_start3A, %dma_start3A_3] : memref<100000x128xf32, #tpu.memory_space<hbm>> -> memref<100000x128xf32, #tpu.memory_space<hbm>>
    tpu.enqueue_indirect_dma source(%dma_start3A_4 : memref<100000x128xf32, #tpu.memory_space<hbm>>) target(%arg6 : memref<80x128xf32, #tpu.memory_space<vmem>>) offsets(%arg5 : memref<80xi32, #tpu.memory_space<vmem>>) semaphore(%arg7 : memref<!tpu.dma_semaphore, #tpu.memory_space<semaphore_mem>>)
    %dma_wait3A = arith.constant 0 : i32
    %dma_wait3A_5 = arith.constant 0 : i32
    %dma_wait3A_6 = tpu.memref_slice %arg2[%dma_wait3A, %dma_wait3A_5] : memref<100000x128xf32, #tpu.memory_space<hbm>> -> memref<100000x128xf32, #tpu.memory_space<hbm>>
    tpu.wait_indirect_dma semaphore(%arg7 : memref<!tpu.dma_semaphore, #tpu.memory_space<semaphore_mem>>) src(%dma_wait3A_6 : memref<100000x128xf32, #tpu.memory_space<hbm>>) dst(%arg6 : memref<80x128xf32, #tpu.memory_space<vmem>>)
    "tpu.region"() ({
      %run_scoped3A = tpu.sem_alloc : memref<!tpu.dma_semaphore, #tpu.memory_space<semaphore_mem>>
      %dma_start3A_7 = arith.constant 0 : i32
      %dma_start3A_8 = tpu.memref_slice %arg4[%mul3A_2, %dma_start3A_7] : memref<2560x128xf32, #tpu.memory_space<hbm>> -> memref<80x128xf32, #tpu.memory_space<hbm>>
      %dma_start3A_9 = arith.constant 0 : i32
      %dma_start3A_10 = tpu.memref_slice %arg4[%mul3A_2, %dma_start3A_9] : memref<2560x128xf32, #tpu.memory_space<hbm>> -> memref<80x128xf32, #tpu.memory_space<hbm>>
      tpu.enqueue_dma source(%arg6 : memref<80x128xf32, #tpu.memory_space<vmem>>) target(%dma_start3A_10 : memref<80x128xf32, #tpu.memory_space<hbm>>) target_semaphore(%run_scoped3A : memref<!tpu.dma_semaphore, #tpu.memory_space<semaphore_mem>>)
      %dma_wait3A_11 = arith.constant 0 : i32
      %dma_wait3A_12 = tpu.memref_slice %arg4[%mul3A_2, %dma_wait3A_11] : memref<2560x128xf32, #tpu.memory_space<hbm>> -> memref<80x128xf32, #tpu.memory_space<hbm>>
      %dma_wait3A_13 = arith.constant 0 : i32
      %dma_wait3A_14 = tpu.memref_slice %arg4[%mul3A_2, %dma_wait3A_13] : memref<2560x128xf32, #tpu.memory_space<hbm>> -> memref<80x128xf32, #tpu.memory_space<hbm>>
      tpu.wait_dma2 semaphore(%run_scoped3A : memref<!tpu.dma_semaphore, #tpu.memory_space<semaphore_mem>>) src(%arg6 : memref<80x128xf32, #tpu.memory_space<vmem>>) dst(%dma_wait3A_14 : memref<80x128xf32, #tpu.memory_space<hbm>>)
      tpu.yield
    }) : () -> ()
    return
  }
}

module attributes {stable_mosaic.version = 14 : i64} {
  func.func @_tc_body(%arg0: i32, %arg1: memref<20xi32, #tpu.memory_space<smem>>, %arg2: memref<5000x1xi32, #tpu.memory_space<vmem>>, %arg3: memref<1x1x320xi32, #tpu.memory_space<vmem>>, %arg4: memref<1x128xf32, #tpu.memory_space<vmem>>, %arg5: memref<5000x128xf32, #tpu.memory_space<vmem>>, %arg6: memref<160x128xf32, #tpu.memory_space<vmem>>, %arg7: memref<160x128xf32, #tpu.memory_space<vmem>>, %arg8: memref<5000x128xf32, #tpu.memory_space<vmem>>) attributes {dimension_semantics = [#tpu.dimension_semantics<arbitrary>], iteration_bounds = array<i64: 20>, scalar_prefetch = 1 : i64, scratch_operands = 0 : i64, tpu.core_type = #tpu.core_type<tc>, window_params = [{transform_indices = @transform_0, window_bounds = array<i64: 5000, 1>}, {transform_indices = @transform_1, window_bounds = array<i64: 1, 1, 320>}, {pipeline_mode = #tpu.pipeline_mode<synchronous>, transform_indices = @transform_2, window_bounds = array<i64: 1, 128>}, {transform_indices = @transform_3, window_bounds = array<i64: 5000, 128>}, {transform_indices = @transform_4, window_bounds = array<i64: 160, 128>}, {transform_indices = @transform_5, window_bounds = array<i64: 160, 128>}, {transform_indices = @transform_6, window_bounds = array<i64: 5000, 128>}]} {
    %get3A = arith.constant 0 : index
    %get3A_0 = arith.constant 0 : index
    %get3A_1 = vector.load %arg2[%get3A, %get3A_0] : memref<5000x1xi32, #tpu.memory_space<vmem>>, vector<5000x1xi32>
    %get3A_2 = arith.constant 0 : index
    %get3A_3 = arith.constant 0 : index
    %get3A_4 = vector.load %arg5[%get3A_2, %get3A_3] : memref<5000x128xf32, #tpu.memory_space<vmem>>, vector<5000x128xf32>
    %eq3A = arith.constant 1 : i32
    %eq3A_5 = vector.broadcast %eq3A : i32 to vector<5000x1xi32>
    %eq3A_6 = arith.cmpi eq, %get3A_1, %eq3A_5 : vector<5000x1xi32>
    %get3A_7 = arith.constant 0 : index
    %get3A_8 = arith.constant 0 : index
    %get3A_9 = vector.load %arg4[%get3A_7, %get3A_8] : memref<1x128xf32, #tpu.memory_space<vmem>>, vector<1x128xf32>
    %broadcast_in_dim3A = vector.shape_cast %eq3A_6 : vector<5000x1xi1> to vector<5000x1xi1>
    %broadcast_in_dim3A_10 = vector.broadcast %broadcast_in_dim3A : vector<5000x1xi1> to vector<5000x128xi1>
    %broadcast_in_dim3A_11 = vector.shape_cast %get3A_9 : vector<1x128xf32> to vector<1x128xf32>
    %broadcast_in_dim3A_12 = vector.broadcast %broadcast_in_dim3A_11 : vector<1x128xf32> to vector<5000x128xf32>
    %select_n3A = arith.select %broadcast_in_dim3A_10, %broadcast_in_dim3A_12, %get3A_4 : vector<5000x128xi1>, vector<5000x128xf32>
    %get3A_13 = arith.constant 0 : index
    %get3A_14 = arith.constant 0 : index
    %get3A_15 = vector.load %arg6[%get3A_13, %get3A_14] : memref<160x128xf32, #tpu.memory_space<vmem>>, vector<160x128xf32>
    %get3A_16 = arith.constant 0 : index
    %get3A_17 = arith.constant 0 : index
    %get3A_18 = vector.load %arg7[%get3A_16, %get3A_17] : memref<160x128xf32, #tpu.memory_space<vmem>>, vector<160x128xf32>
    %concatenate3A = tpu.concatenate %get3A_15, %get3A_18 in 0 : vector<160x128xf32>, vector<160x128xf32> -> vector<320x128xf32>
    %get3A_19 = arith.constant 0 : index
    %get3A_20 = arith.constant 0 : index
    %get3A_21 = arith.constant 0 : index
    %get3A_22 = vector.load %arg3[%get3A_19, %get3A_20, %get3A_21] : memref<1x1x320xi32, #tpu.memory_space<vmem>>, vector<1x1x320xi32>
    %reshape3A = vector.shape_cast %get3A_22 : vector<1x1x320xi32> to vector<1x320xi32>
    %iota3A = tpu.iota {dimensions = array<i32: 0>} : vector<5000x320xi32>
    %eq3A_23 = vector.broadcast %reshape3A : vector<1x320xi32> to vector<5000x320xi32>
    %eq3A_24 = arith.cmpi eq, %iota3A, %eq3A_23 : vector<5000x320xi32>
    %convert_element_type3A = arith.extui %eq3A_24 : vector<5000x320xi1> to vector<5000x320xi32>
    %convert_element_type3A_25 = arith.sitofp %convert_element_type3A : vector<5000x320xi32> to vector<5000x320xf32>
    %convert_element_type3A_26 = arith.truncf %convert_element_type3A_25 : vector<5000x320xf32> to vector<5000x320xbf16>
    %convert_element_type3A_27 = arith.truncf %concatenate3A : vector<320x128xf32> to vector<320x128xbf16>
    %dot_general3A = arith.constant dense<0.000000e+00> : vector<5000x128xf32>
    %dot_general3A_28 = tpu.matmul %convert_element_type3A_26, %convert_element_type3A_27, %dot_general3A {dimension_numbers = #tpu.dot_dimension_numbers<[1], [0], [0], [1], [0, 0, 1, 1], [], []>, transpose_lhs_hint = false} : vector<5000x320xbf16>, vector<320x128xbf16>, vector<5000x128xf32> -> vector<5000x128xf32>
    %eq3A_29 = arith.constant 2 : i32
    %eq3A_30 = vector.broadcast %eq3A_29 : i32 to vector<5000x1xi32>
    %eq3A_31 = arith.cmpi eq, %get3A_1, %eq3A_30 : vector<5000x1xi32>
    %broadcast_in_dim3A_32 = vector.shape_cast %eq3A_31 : vector<5000x1xi1> to vector<5000x1xi1>
    %broadcast_in_dim3A_33 = vector.broadcast %broadcast_in_dim3A_32 : vector<5000x1xi1> to vector<5000x128xi1>
    %select_n3A_34 = arith.select %broadcast_in_dim3A_33, %dot_general3A_28, %select_n3A : vector<5000x128xi1>, vector<5000x128xf32>
    %swap3A = arith.constant 0 : index
    %swap3A_35 = arith.constant 0 : index
    %swap3A_36 = vector.load %arg8[%swap3A, %swap3A_35] : memref<5000x128xf32, #tpu.memory_space<vmem>>, vector<5000x128xf32>
    tpu.vector_store %arg8[%swap3A, %swap3A_35], %select_n3A_34 {strides = array<i32>} : memref<5000x128xf32, #tpu.memory_space<vmem>>, vector<5000x128xf32>,
    return
  }
  func.func @transform_0(%arg0: i32, %arg1: memref<20xi32, #tpu.memory_space<smem>>) -> (i32, i32) {
    %c0_i32 = arith.constant 0 : i32
    %c0_i32_0 = arith.constant 0 : i32
    return %arg0, %c0_i32 : i32, i32
  }
  func.func @transform_1(%arg0: i32, %arg1: memref<20xi32, #tpu.memory_space<smem>>) -> (i32, i32, i32) {
    %c0_i32 = arith.constant 0 : i32
    %c0_i32_0 = arith.constant 0 : i32
    %c0_i32_1 = arith.constant 0 : i32
    return %arg0, %c0_i32, %c0_i32_0 : i32, i32, i32
  }
  func.func @transform_2(%arg0: i32, %arg1: memref<20xi32, #tpu.memory_space<smem>>) -> (i32, i32) {
    %c0_i32 = arith.constant 0 : i32
    %c0_i32_0 = arith.constant 0 : i32
    %c0_i32_1 = arith.constant 0 : i32
    return %c0_i32, %c0_i32_0 : i32, i32
  }
  func.func @transform_3(%arg0: i32, %arg1: memref<20xi32, #tpu.memory_space<smem>>) -> (i32, i32) {
    %c0_i32 = arith.constant 0 : i32
    %c0_i32_0 = arith.constant 0 : i32
    return %arg0, %c0_i32 : i32, i32
  }
  func.func @transform_4(%arg0: i32, %arg1: memref<20xi32, #tpu.memory_space<smem>>) -> (i32, i32) {
    %get3A = arith.index_cast %arg0 : i32 to index
    %get3A_0 = memref.load %arg1[%get3A] : memref<20xi32, #tpu.memory_space<smem>>
    %c0_i32 = arith.constant 0 : i32
    %c0_i32_1 = arith.constant 0 : i32
    return %get3A_0, %c0_i32 : i32, i32
  }
  func.func @transform_5(%arg0: i32, %arg1: memref<20xi32, #tpu.memory_space<smem>>) -> (i32, i32) {
    %get3A = arith.index_cast %arg0 : i32 to index
    %get3A_0 = memref.load %arg1[%get3A] : memref<20xi32, #tpu.memory_space<smem>>
    %add3A = arith.constant 1 : i32
    %add3A_1 = arith.addi %get3A_0, %add3A : i32
    %c0_i32 = arith.constant 0 : i32
    %c0_i32_2 = arith.constant 0 : i32
    return %add3A_1, %c0_i32 : i32, i32
  }
  func.func @transform_6(%arg0: i32, %arg1: memref<20xi32, #tpu.memory_space<smem>>) -> (i32, i32) {
    %c0_i32 = arith.constant 0 : i32
    %c0_i32_0 = arith.constant 0 : i32
    return %arg0, %c0_i32 : i32, i32
  }
}

</mosaic_0001>

<sc_bundles>
// kernel: kernel.4.cloned.1.call-start
scs
__scs_entry_jumppad:
0x0: {  	(pc) =	sbr.rel $0x88, $3  }
0x1: {  	(tag) =	ssettag $0x0;
	lr =	simm.s32 $0x1  }
0x2: {  	[smem:$0x3F9F] =	sst lr;
	_ =	strace $0xD0000000  }
0x3: {  	_ = 	snop  }
0x4: {  	_ = 	snop  }
0x5: {  	_ = 	snop  }
0x6: {  	_ = 	snop  }
0x7: {  	_ = 	snop  }
__scs_overlays_trampoline_lowered:
0x8: {  	[smem:$0x3FAE] =	sst s0  }
0x9: {  	[smem:$0x3FAF] =	sst s1  }
0xa: {  	[smem:$0x3FB0] =	sst s2  }
0xb: {  	[smem:$0x3FB1] =	sst s3  }
0xc: {  	[smem:$0x3FB2] =	sst s4  }
0xd: {  	[smem:$0x3FB3] =	sst s5  }
0xe: {  	[smem:$0x3FB4] =	sst s6  }
0xf: {  	[smem:$0x3FB5] =	sst s7  }
0x10: {  	[smem:$0x3FB6] =	sst s8  }
0x11: {  	[smem:$0x3FB7] =	sst s9;
	s0 =	simm.s32 @!p0 $0x0  }
0x12: {  	s1 =	sld [smem:$0x3F9D];
	s0 =	simm.s32 @p0 $0x1  }
0x13: {  	[smem:$0x3FB8] =	sst s0;
	s0 =	simm.s32 @!p1 $0x0  }
0x14: {  	s2 =	sld [smem:$0x3F9C];
	s0 =	simm.s32 @p1 $0x1  }
0x15: {  	[smem:$0x3FB9] =	sst s0;
	s0 =	simm.s32 @!p2 $0x0  }
0x16: {  	s3 =	sld [smem:$0x3FDB];
	s0 =	simm.s32 @p2 $0x1  }
0x17: {  	s4 =	simm.s32 $0x1BF5;
	[smem:$0x3FBB] =	sst s0  }
0x18: {  	s0 =	sld [smem:$0x3F9E];
	_ =	swait.ge [sflag:s4], $0x0  }
0x19: {  	s7 =	sld [smem:$0x3F9F]  }
0x1a: {  	s8 =	sadd.s32 $0xFFFFE003, lr  }
0x1b: {  	s9 =	sadd.s32 $0xFFFFFEF7, lr;
	s5 =	simm.s32 $0xFFFFFFFF;
	p2 =	slt.u32 s8, $0xFFFFF086  }
0x1c: {  	p1 =	slt.u32 s9, $0xF7A;
	s5 =	simm.s32 @!p2 $0x0  }
0x1d: {  	s5 =	simm.s32 @p1 $0x1;
	p0 =	seq.s32 s7, s2  }
0x1e: {  	s7 =	smul.u32 @!p0 $0xF7A, s2;
	p2 =	seq.s32 @!p0 s5, $0x0  }
0x1f: {  	s9 =	smul.u32 $0xF7A, s1;
	s8 =	simm.s32 @!p0 $0x1BF5;
	p2 =	por !p2, p0  }
0x20: {  	[sflag:s8] =	ssyncset.s32 @!p0 $0xFFFFF086;
	s6 =	sadd.s32 @!p0 s3, s7;
	s7 =	simm.s32 @!p0 $0x108  }
0x21: {  	s3 =	sadd.s32 s3, s9;
	s6 =	sadd.s32 @!p0 $0x88, s6;
	s7 =	simm.s32 @p2 $0x1082  }
0x22: {  	[simem:s7], [sflag:s8] =	dma.local @!p0 [hbm:s6], $0xF7A  }
0x23: {  	s9 =	sor.u32 $0xD0000000, s2;
	s6 =	simm.s32 $0x108;
	_ =	swait.ge @!p0 [sflag:s8], $0x0  }
0x24: {  	s3 =	sadd.s32 $0x88, s3;
	s6 =	simm.s32 @!p1 $0x1082;
	[sflag:s4] =	ssyncset.s32 $0xFFFFF086  }
0x25: {  	[simem:s6], [sflag:s4] =	dma.local [hbm:s3], $0xF7A  }
0x26: {  	[smem:$0x3F9F] =	sst s1;
	(tag) =	ssettag s2;
	_ =	strace s9  }
0x27: {  	s1 =	sld [smem:$0x3FAF]  }
0x28: {  	s2 =	sld [smem:$0x3FB0]  }
0x29: {  	s4 =	sld [smem:$0x3FB2]  }
0x2a: {  	p0 =	seq.s32 s5, $0x0;
	s5 =	sld [smem:$0x3FB3]  }
0x2b: {  	s6 =	sld [smem:$0x3FB4]  }
0x2c: {  	s7 =	sld [smem:$0x3FB5]  }
0x2d: {  	s3 =	simm.s32 $0x108;
	s8 =	sld [smem:$0x3FB6]  }
0x2e: {  	s3 =	simm.s32 @!p0 $0x1082;
	s9 =	sld [smem:$0x3FB7]  }
0x2f: {  	lr =	sadd.s32 s0, s3;
	s0 =	sld [smem:$0x3FAE]  }
0x30: {  	s3 =	sld [smem:$0x3FB1]  }
0x31: {  	[smem:$0x3FBA] =	sst s10  }
0x32: {  	s10 =	sld [smem:$0x3FB8];
	_ =	sdelay $0x3  }
0x33: {  	p0 =	seq.s32 s10, $0x1;
	s10 =	sld [smem:$0x3FBA];
	_ =	sdelay $0x3  }
0x34: {  	[smem:$0x3FBA] =	sst s10  }
0x35: {  	s10 =	sld [smem:$0x3FB9];
	_ =	sdelay $0x3  }
0x36: {  	p1 =	seq.s32 s10, $0x1;
	s10 =	sld [smem:$0x3FBA];
	_ =	sdelay $0x3  }
0x37: {  	[smem:$0x3FBA] =	sst s10  }
0x38: {  	s10 =	sld [smem:$0x3FBB]  }
0x39: {  	_ = 	snop;
	(pc) =	sbr.ind lr, $3  }
0x3a: {  	_ = 	snop  }
0x3b: {  	_ = 	snop  }
0x3c: {  	p2 =	seq.s32 s10, $0x1;
	s10 =	sld [smem:$0x3FBA]  }
0x3d: {  	_ =	shalt  }
0x3e: {  	_ =	shalt  }
0x3f: {  	_ =	shalt  }
0x40: {  	_ =	shalt  }
0x41: {  	_ =	shalt  }
0x42: {  	_ =	shalt  }
0x43: {  	_ =	shalt  }
0x44: {  	_ =	shalt  }
0x45: {  	_ =	shalt  }
0x46: {  	_ =	shalt  }
0x47: {  	_ =	shalt  }
0x48: {  	_ =	shalt  }
0x49: {  	_ =	shalt  }
0x4a: {  	_ =	shalt  }
0x4b: {  	_ =	shalt  }
0x4c: {  	_ =	shalt  }
0x4d: {  	_ =	shalt  }
0x4e: {  	_ =	shalt  }
0x4f: {  	_ =	shalt  }
0x50: {  	_ =	shalt  }
0x51: {  	_ =	shalt  }
0x52: {  	_ =	shalt  }
0x53: {  	_ =	shalt  }
0x54: {  	_ =	shalt  }
0x55: {  	_ =	shalt  }
0x56: {  	_ =	shalt  }
0x57: {  	_ =	shalt  }
0x58: {  	_ =	shalt  }
0x59: {  	_ =	shalt  }
0x5a: {  	_ =	shalt  }
0x5b: {  	_ =	shalt  }
0x5c: {  	_ =	shalt  }
0x5d: {  	_ =	shalt  }
0x5e: {  	_ =	shalt  }
0x5f: {  	_ =	shalt  }
0x60: {  	_ =	shalt  }
0x61: {  	_ =	shalt  }
0x62: {  	_ =	shalt  }
0x63: {  	_ =	shalt  }
0x64: {  	_ =	shalt  }
0x65: {  	_ =	shalt  }
0x66: {  	_ =	shalt  }
0x67: {  	_ =	shalt  }
0x68: {  	_ =	shalt  }
0x69: {  	_ =	shalt  }
0x6a: {  	_ =	shalt  }
0x6b: {  	_ =	shalt  }
0x6c: {  	_ =	shalt  }
0x6d: {  	_ =	shalt  }
0x6e: {  	_ =	shalt  }
0x6f: {  	_ =	shalt  }
0x70: {  	_ =	shalt  }
0x71: {  	_ =	shalt  }
0x72: {  	_ =	shalt  }
0x73: {  	_ =	shalt  }
0x74: {  	_ =	shalt  }
0x75: {  	_ =	shalt  }
0x76: {  	_ =	shalt  }
0x77: {  	_ =	shalt  }
0x78: {  	_ =	shalt  }
0x79: {  	_ =	shalt  }
0x7a: {  	_ =	shalt  }
0x7b: {  	_ =	shalt  }
0x7c: {  	_ =	shalt  }
0x7d: {  	_ =	shalt  }
0x7e: {  	_ =	shalt  }
0x7f: {  	_ =	shalt  }
0x80: {  	_ =	shalt  }
0x81: {  	_ =	shalt  }
0x82: {  	_ =	shalt  }
0x83: {  	_ =	shalt  }
0x84: {  	_ =	shalt  }
0x85: {  	_ =	shalt  }
0x86: {  	_ =	shalt  }
0x87: {  	_ =	shalt  }
.Lfunc_end0:
.L_simem_size_0:
called_computation_lowered:
.L_overlay_start_0:
0x88: {  	s2 =	sld [smem:$0x3FD9]  }
0x89: {  	s3 =	sld [smem:$0x3FFE];
	_ =	sdelay $0x1  }
0x8a: {  	s1 =	srdreg.scid  }
0x8b: {  	s0 =	sand.u32 $0x1, s1  }
0x8c: {  	s15 =	sshll.u32 s0, $0xA;
	s2 =	sadd.s32 s3, s2  }
0x8d: {  	s2 =	sadd.s32 s2, s15  }
0x8e: {  	[smem:$0x3FC6] =	sst s2  }
0x8f: {  	_ = 	snop  }
0x90: {  	s2 =	sld [smem:$0x3FD0];
	_ =	sdelay $0x2  }
0x91: {  	s4 =	simm.s32 $0xA;
	s5 =	simm.s32 $0x10;
	s16 =	sld [smem:$0x3FC9]  }
0x92: {  	[smem:s5], [sflag:s4] =	dma.local [hbm:s2], $0x1  }
0x93: {  	_ =	swait.eq [sflag:s4], $0x1  }
0x94: {  	[sflag:s4] =	ssyncset.done $0x0  }
0x95: {  	s17 =	sld [smem:$0x10];
	[sflag:s4] =	ssyncadd.s32 $0xFFFFFFFF  }
0x96: {  	s18 =	sld [smem:$0x12];
	(tm) =	ssettm $0x1  }
0x97: {  	s19 =	sld [smem:$0x3FFB];
	_ =	sdelay $0x3  }
0x98: {  	_ =	strace s19  }
0x99: {  	s5 =	sld [smem:$0x3FFC];
	_ =	sdelay $0x3  }
0x9a: {  	_ =	strace s5  }
0x9b: {  	s5 =	sld [smem:$0x3FFD];
	_ =	sdelay $0x3  }
0x9c: {  	_ =	strace s5  }
0x9d: {  	_ =	strace $0x8FFFFFFF  }
0x9e: {  	s20 =	sld [smem:$0x3FDB];
	_ =	sdelay $0x1  }
0x9f: {  	s6 =	simm.s32 $_scs_section_size  }
0xa0: {  	s7 =	simm.s32 $_size__tile_overlayer_lowered;
	s8 =	simm.s32 $_tile_overlayer_lowered  }
0xa1: {  	s23 =	simm.s32 $0x1BFF;
	s22 =	sshll.u32 s8, $0x1;
	s5 =	sadd.s32 s6, s20  }
0xa2: {  	s9 =	simm.s32 $0x0;
	s21 =	sshll.u32 s7, $0x1;
	s7 =	sadd.s32 s22, s5  }
0xa3: {  	[timem:s9], [sflag:s23] =	dma.local [hbm:s7], s21  }
0xa4: {  	_ =	swait.ge [sflag:s23], s21  }
0xa5: {  	s6 =	ssub.s32 $0x0, s21;
	[sflag:s23] =	ssyncset.done $0x0  }
0xa6: {  	[sflag:s23] =	ssyncadd.s32 s6;
	_ =	sdelay $0x1  }
0xa7: {  	s24 =	simm.s32 $0x1B8B  }
0xa8: {  	_ =	swait.ge [sflag:s24], $0x1  }
0xa9: {  	[sflag:s24] =	ssyncset.done $0x0  }
0xaa: {  	s25 =	simm.s32 $0x1B8E;
	[sflag:s24] =	ssyncadd.s32 $0xFFFFFFFF  }
0xab: {  	s26 =	simm.s32 $execute0_lowered;
	[smem:$0x3FD2] =	sst s25  }
0xac: {  	s6 =	sshll.u32 s26, $0x1;
	_ =	strace $0x80000046;
	[dreg:$0x1] =	wrdreg $0xFFFFFFFF  }
0xad: {  	s28 =	simm.s32 $_size_execute0_lowered;
	s5 =	sadd.s32 s5, s6;
	[dreg:$0x0] =	wrdreg $0x0  }
0xae: {  	s6 =	sshll.u32 s28, $0x1;
	[dreg:$0x2] =	wrdreg s5  }
0xaf: {  	[dreg:$0x3] =	wrdreg s6  }
0xb0: {  	[dreg:$0x4] =	wrdreg $0xC0  }
0xb1: {  	_ =	task [dreg:s9], $0x5FFFF  }
0xb2: {  	[dreg:$0x1] =	wrdreg $0xFFFFFFFF  }
0xb3: {  	[dreg:$0x0] =	wrdreg $0x60  }
0xb4: {  	[dreg:$0x2] =	wrdreg s16  }
0xb5: {  	[dreg:$0x3] =	wrdreg s18  }
0xb6: {  	[dreg:$0x4] =	wrdreg s17  }
0xb7: {  	[dreg:$0x5] =	wrdreg $0x9  }
0xb8: {  	_ =	task.clear_ibuf [dreg:s9], $0x6FFFF;
	_ =	strace $0x90000046  }
0xb9: {  	s29 =	simm.s32 $0x9;
	_ =	strace $0x80000048  }
0xba: {  	_ =	swait.ge [sflag:s29], $0x1  }
0xbb: {  	[sflag:s29] =	ssyncadd.s32 $0xFFFFFFFF  }
0xbc: {  	_ =	strace $0x90000048  }
0xbd: {  	_ =	sfence  }
0xbe: {  	s30 =	sld [smem:$0x0];
	_ =	sdelay $0x2  }
0xbf: {  	s31 =	sshll.u32 s1, $0xD;
	s1 =	sshrl.u32 s1, $0x2  }
0xc0: {  	s3 =	sand.u32 $0x4000, s31;
	s1 =	sadd.s32 s1, s30  }
0xc1: {  	s0 =	sor.u32 s3, s0;
	s1 =	sshll.u32 s1, $0x11  }
0xc2: {  	s0 =	sor.u32 s1, s0  }
0xc3: {  	s0 =	sadd.s32 $0x8F2B, s0  }
0xc4: {  	[sflag:s0] =	ssyncadd.remote.s32 $0x1  }
0xc5: {  	_ =	sfence.sel $0xFFFF  }
0xc6: {  	[dreg:$0x0] =	wrdreg $0xFFFFFFFF;
	(pc) =	sbr.abs _section_cstart, $3  }
0xc7: {  	[dreg:$0x1] =	wrdreg $0xFFFFFFFF  }
0xc8: {  	_ =	task.clear_ibuf [dreg:s9], $0x2FFFF;
	_ =	strace $0x9FFFFFFF  }
0xc9: {  	(tm) =	ssettm $0x7FFFFFFF  }
tec
execute0_lowered:
.L_overlay_start_1:
0x0: {  	(tag) =	ssettag $0x1  }
0x1: {  	s1 =	rddreg [dreg:$0x0]  }
0x2: {  	s2 =	srdreg.scid;
	s0 =	stileid.u32  }
0x3: {  	s4 =	rddreg [dreg:$0x1];
	s6 =	sand.u32 $0x1, s2;
	s30 =	sshll.u32 s0, $0x1  }
0x4: {  	s9 =	rddreg [dreg:$0x2];
	s3 =	simm.s32 $0x0;
	s10 =	sor.u32 s6, s30  }
0x5: {  	[smem:$0x7FF] =	sst s3;
	s5 =	smul.u32 $0xA, s10  }
0x6: {  	s2 =	rddreg [dreg:$0x3];
	_ =	strace $0x80000047  }
0x7: {  	s11 =	ssub.s32 $0x2, s6;
	s5 =	sadd.s32 s4, s5;
	s4 =	simm.s32 $0x2  }
0x8: {  	[tilespmem:s3], [sflag:$0x2] =	stream.linear.gather [hbm4b:s5+s3], $0x50, $0x38;
	[tilespmem:$0x2880] =	vst v63  }
0x9: {  	s7 =	simm.s32 $0x80;
	s12 =	sshrl.u32 s11, $0x1;
	_ =	swait.ge [sflag:s4], $0x50  }
0xa: {  	s8 =	simm.s32 $0x1;
	s11 =	ssub.s32 s11, s12;
	[sflag:s4] =	ssyncset.done $0x0  }
0xb: {  	s6 =	simm.s32 $0x50;
	s31 =	smax.u32 s11, $0x1;
	[sflag:s4] =	ssyncadd.s32 $0xFFFFFFB0  }
0xc: {  	[tilespmem:s7], [sflag:$0x1] =	stream.indirect.gather [hbm4b:s1+s6], $0x80, s3, s6, $0xb8;
	[tilespmem:$0x2880] =	vst v63  }
0xd: {  	s10 =	smul.u32 $0x500, s10;
	p0 =	sne.s32 s31, $0x1;
	_ =	swait.ge [sflag:s8], $0x2800  }
.Ltmp0:
0xe: {  	[sflag:s8] =	ssyncset.done $0x0;
	(pc) =	sbr.rel @!p0 .LBB2_2-.Ltmp0, $4  }
0xf: {  	s9 =	sadd.s32 s9, s10;
	[sflag:s8] =	ssyncadd.s32 $0xFFFFD800  }
0x10: {  	[hbm4b:s9+s3] =	stream.linear.scatter [tilespmem:s7], [sflag:$0x2], $0x2800, $0x38;
	[tilespmem:$0x2880] =	vst v63  }
0x11: {  	_ =	swait.ge [sflag:s4], $0x2800  }
0x12: {  	s10 =	sadd.s32 $0xFFFFFFFF, s31;
	[sflag:s4] =	ssyncset.done $0x0  }
.LBB2_1:
0x13: {  	p0 =	sne.s32 s10, $0x1;
	s10 =	sadd.s32 $0xFFFFFFFF, s10;
	[sflag:s4] =	ssyncadd.s32 $0xFFFFD800  }
0x14: {  	[tilespmem:s3], [sflag:$0x2] =	stream.linear.gather [hbm4b:s5+s3], $0x50, $0x38;
	[tilespmem:$0x2880] =	vst v63  }
0x15: {  	_ =	swait.ge [sflag:s4], $0x50  }
0x16: {  	[sflag:s4] =	ssyncset.done $0x0  }
0x17: {  	[sflag:s4] =	ssyncadd.s32 $0xFFFFFFB0  }
0x18: {  	[tilespmem:s7], [sflag:$0x1] =	stream.indirect.gather [hbm4b:s1+s6], $0x80, s3, s6, $0xb8;
	[tilespmem:$0x2880] =	vst v63  }
0x19: {  	_ =	swait.ge [sflag:s8], $0x2800  }
.Ltmp1:
0x1a: {  	[sflag:s8] =	ssyncset.done $0x0;
	(pc) =	sbr.rel @p0 .LBB2_1-.Ltmp1, $4  }
0x1b: {  	[sflag:s8] =	ssyncadd.s32 $0xFFFFD800  }
0x1c: {  	[hbm4b:s9+s3] =	stream.linear.scatter [tilespmem:s7], [sflag:$0x2], $0x2800, $0x38;
	[tilespmem:$0x2880] =	vst v63  }
0x1d: {  	_ =	swait.ge [sflag:s4], $0x2800  }
0x1e: {  	[sflag:s4] =	ssyncset.done $0x0  }
.LBB2_2:
0x1f: {  	[sflag:s4] =	ssyncadd.s32 $0xFFFFD800  }
0x20: {  	_ =	sfence.sel $0x180000  }
0x21: {  	[bflag:$0x0] =	sbarrier.arrive $0xFFFF  }
0x22: {  	p0 =	sne.s32 s0, $0x0;
	_ =	strace $0x90000047  }
0x23: {  	s0 =	sadd.s32 @!p0 $0x100000, s2;
	[bflag:$0x2] =	sbarrier.arrive $0xFFFF  }
0x24: {  	[sflag:s0] =	ssyncadd.tile.s32 @!p0 $0x1;
	_ =	shalt  }
.Lfunc_end2:
_tile_overlayer_lowered:
.L_overlay_start_2:
0x25: {  	(tag) =	ssettag $0x2  }
0x26: {  	s0 =	rddreg [dreg:$0x0];
	s2 =	stileid.u32  }
0x27: {  	s1 =	rddreg [dreg:$0x1];
	p0 =	sne.s32 s2, $0x0  }
0x28: {  	s3 =	rddreg [dreg:$0x2];
	[bflag:$0x3] =	sbarrier.arrive $0xFFFF;
	s2 =	simm.s32 @!p0 $0x1C02  }
0x29: {  	[timem:s3], [sflag:s2] =	dma.local @!p0 [hbm:s0], s1  }
0x2a: {  	s0 =	simm.s32 @!p0 $0x2  }
0x2b: {  	_ =	swait.ge @!p0 [sflag:s0], s1  }
0x2c: {  	s1 =	ssub.s32 @!p0 $0x0, s1;
	[sflag:s0] =	ssyncset.done @!p0 $0x0  }
0x2d: {  	[sflag:s0] =	ssyncadd.s32 @!p0 s1  }
0x2e: {  	[bflag:$0x3] =	sbarrier.arrive $0xFFFF  }
0x2f: {  	_ =	shalt  }

</sc_bundles>
